<compile_context>
chip_gen: v7x
topology: tpu7x:2x2x1
jax: 0.10.2.dev20260603
libtpu: 0.0.44.dev20260713+nightly
codegen_flags: <defaults>
</compile_context>

<pallas_src>
import functools

import jax
import jax.numpy as jnp
from jax import lax
from jax.experimental import pallas as pl
from jax.experimental.pallas import tpu as pltpu
from jax.experimental.pallas import tpu_sc as plsc

_F = 26
_V = 100000
_D = 32
_B = 4096
_H1 = 256
_H2 = 128
_INP = _F * _D

_NC = 2
_NS = 16
_NW = _NC * _NS
_LANES = 16


def _sc_gather_xt(embT, idsT):
    mesh = plsc.VectorSubcoreMesh(core_axis_name="c", subcore_axis_name="s")

    @functools.partial(
        pl.kernel,
        out_type=jax.ShapeDtypeStruct((_F, _D, _B), jnp.float32),
        mesh=mesh,
        scratch_types=[
            pltpu.VMEM((_V,), jnp.float32),
            pltpu.VMEM((_B,), jnp.int32),
            pltpu.VMEM((_B,), jnp.float32),
        ],
        compiler_params=pltpu.CompilerParams(use_tc_tiling_on_sc=True,
                                             needs_layout_passes=False),
    )
    def k(emb_hbm, ids_hbm, out_hbm, slab_v, ids_v, row_v):
        d = lax.axis_index("s") * _NC + lax.axis_index("c")

        def field_body(f, carry):
            pltpu.sync_copy(ids_hbm.at[f], ids_v)
            pltpu.sync_copy(emb_hbm.at[f, d], slab_v)

            def gather_body(i, c2):
                base = pl.multiple_of(i * (8 * _LANES), _LANES)
                for j in range(8):
                    s = pl.ds(pl.multiple_of(base + j * _LANES, _LANES),
                              _LANES)
                    row_v[s] = plsc.load_gather(slab_v, [ids_v[s]])
                return c2

            lax.fori_loop(0, _B // (8 * _LANES), gather_body, 0)
            pltpu.sync_copy(row_v, out_hbm.at[f, d])
            return carry

        lax.fori_loop(0, _F, field_body, 0)

    return k(embT, idsT)


_BLK = 2048


def _mlp_body(x_ref, cw1, cb1, cw2, cb2, cw3, cb3, vw1, vb1, vw2, vb2, vw3,
              vb3, out_ref):
    x = x_ref[...].astype(jnp.bfloat16)

    def tower(w1, b1, w2, b2, w3):
        h = jnp.maximum(
            lax.dot_general(w1[...].astype(jnp.bfloat16), x,
                            (((0,), (0,)), ((), ())),
                            preferred_element_type=jnp.float32) + b1[...], 0.0)
        h = h.astype(jnp.bfloat16)
        h = jnp.maximum(
            lax.dot_general(w2[...].astype(jnp.bfloat16), h,
                            (((0,), (0,)), ((), ())),
                            preferred_element_type=jnp.float32) + b2[...], 0.0)
        h = h.astype(jnp.bfloat16)
        return lax.dot_general(w3[...].astype(jnp.bfloat16), h,
                               (((0,), (0,)), ((), ())),
                               preferred_element_type=jnp.float32)

    lc = tower(cw1, cb1, cw2, cb2, cw3) + cb3[0, 0]
    lv = tower(vw1, vb1, vw2, vb2, vw3) + vb3[0, 0]
    ctr = 1.0 / (1.0 + jnp.exp(-lc))
    cvr = 1.0 / (1.0 + jnp.exp(-lv))
    out_ref[...] = jnp.concatenate([ctr, cvr, ctr * cvr], axis=0)


def _mlp(xT, cW1p, cb1, cW2, cb2, cW3, cb3, vW1p, vb1, vW2, vb2, vW3, vb3):
    wspec = lambda shape: pl.BlockSpec(shape, lambda i: (0, 0))
    return pl.pallas_call(
        _mlp_body,
        grid=(_B // _BLK,),
        in_specs=[
            pl.BlockSpec((_INP, _BLK), lambda i: (0, i)),
            wspec((_INP, _H1)),
            wspec((_H1, 1)),
            wspec((_H1, _H2)),
            wspec((_H2, 1)),
            wspec((_H2, 1)),
            pl.BlockSpec(memory_space=pltpu.SMEM),
            wspec((_INP, _H1)),
            wspec((_H1, 1)),
            wspec((_H1, _H2)),
            wspec((_H2, 1)),
            wspec((_H2, 1)),
            pl.BlockSpec(memory_space=pltpu.SMEM),
        ],
        out_specs=pl.BlockSpec((3, _BLK), lambda i: (0, i)),
        out_shape=jax.ShapeDtypeStruct((3, _B), jnp.float32),
    )(xT, cW1p, cb1, cW2, cb2, cW3, cb3, vW1p, vb1, vW2, vb2, vW3, vb3)


def kernel(ids, emb_tables, cW1, cb1, cW2, cb2, cW3, cb3, vW1, vb1, vW2, vb2,
           vW3, vb3):
    embT = jnp.transpose(emb_tables, (0, 2, 1))
    idsT = ids.T
    xT = _sc_gather_xt(embT, idsT).reshape(_INP, _B)
    out = _mlp(xT, cW1, cb1.reshape(_H1, 1), cW2, cb2.reshape(_H2, 1),
               cW3.reshape(_H2, 1), cb3.reshape(1, 1), vW1,
               vb1.reshape(_H1, 1), vW2, vb2.reshape(_H2, 1),
               vW3.reshape(_H2, 1), vb3.reshape(1, 1))
    return out[0], out[1], out[2]

# --- scband reference (transcript-rebuilt; emitter-appended) ---
"""Pipeline reference for scband-esmm-8263517077673 (READ-ONLY COPY).

The authoritative reference and input builder live on the scoring server;
editing this copy changes nothing except your own understanding.
"""

import jax, jax.numpy as jnp
import numpy as np

F = 26
V = 100000
D = 32
B = 4096
H1 = 256
H2 = 128
INP = F * D


def _mlp_params(key, inp, hidden, scale=0.05):
    ks = jax.random.split(key, 2 * (len(hidden) + 1))
    params = []
    prev = inp
    i = 0
    for h in hidden:
        params.append(jax.random.normal(ks[i], (prev, h), dtype=jnp.float32) * scale)
        params.append(jnp.zeros((h,), dtype=jnp.float32))
        prev = h
        i += 2
    params.append(jax.random.normal(ks[i], (prev, 1), dtype=jnp.float32) * scale)
    params.append(jnp.zeros((1,), dtype=jnp.float32))
    return params


def setup_inputs(seed: int = 0) -> dict:
    key = jax.random.key(seed)
    k_ids, k_emb, k_ctr, k_cvr = jax.random.split(key, 4)
    ids = jax.random.randint(k_ids, (B, F), 0, V, dtype=jnp.int64 if jax.config.jax_enable_x64 else jnp.int32).astype(jnp.int32)
    emb_tables = jax.random.normal(k_emb, (F, V, D), dtype=jnp.float32) * 0.05
    # padding_idx=0 rows zeroed, matching nn.Embedding(padding_idx=0)
    emb_tables = emb_tables.at[:, 0, :].set(0.0)
    cW1, cb1, cW2, cb2, cW3, cb3 = _mlp_params(k_ctr, INP, [H1, H2])
    vW1, vb1, vW2, vb2, vW3, vb3 = _mlp_params(k_cvr, INP, [H1, H2])
    return {
        "ids": ids,
        "emb_tables": emb_tables,
        "cW1": cW1, "cb1": cb1, "cW2": cW2, "cb2": cb2, "cW3": cW3, "cb3": cb3,
        "vW1": vW1, "vb1": vb1, "vW2": vW2, "vb2": vb2, "vW3": vW3, "vb3": vb3,
    }


def _tower(x, W1, b1, W2, b2, W3, b3):
    h = jax.nn.relu(x @ W1 + b1)
    h = jax.nn.relu(h @ W2 + b2)
    return (h @ W3 + b3).squeeze(-1)


def reference(ids, emb_tables, cW1, cb1, cW2, cb2, cW3, cb3, vW1, vb1, vW2, vb2, vW3, vb3):
    # per-field embedding lookup as one flat gather
    offsets = jnp.arange(F, dtype=ids.dtype) * V  # [F]
    flat_ids = ids + offsets[None, :]             # [B, F]
    flat_table = emb_tables.reshape(F * V, D)     # [F*V, D]
    embs = jnp.take(flat_table, flat_ids, axis=0)  # [B, F, D]
    x = embs.reshape(B, F * D)                     # [B, INP]
    ctr = jax.nn.sigmoid(_tower(x, cW1, cb1, cW2, cb2, cW3, cb3))
    cvr = jax.nn.sigmoid(_tower(x, vW1, vb1, vW2, vb2, vW3, vb3))
    return (ctr, cvr, ctr * cvr)

if __name__ == "__main__":
    import jax
    _d = setup_inputs()
    print(jax.jit(kernel)(*tuple(_d.values())))

</pallas_src>

<mosaic_0001>
#map = affine_map<(d0, d1) -> (0, 0, 0)>
#map1 = affine_map<(d0, d1) -> (0, 0)>
module attributes {stable_mosaic.version = 14 : i64} {
  func.func @k(%arg0: i32, %arg1: i32, %arg2: memref<26x32x100000xf32, #tpu.memory_space<hbm>>, %arg3: memref<26x4096xi32, #tpu.memory_space<hbm>>, %arg4: memref<26x32x4096xf32, #tpu.memory_space<hbm>>, %arg5: memref<100000xf32, #tpu.memory_space<vmem>>, %arg6: memref<4096xi32, #tpu.memory_space<vmem>>, %arg7: memref<4096xf32, #tpu.memory_space<vmem>>) attributes {dimension_semantics = [#tpu.dimension_semantics<core_parallel>, #tpu.dimension_semantics<subcore_parallel>], iteration_bounds = array<i64: 2, 16>, scalar_prefetch = 0 : i64, scratch_operands = 3 : i64, tpu.core_type = #tpu.core_type<sc_vector_subcore>, window_params = [{transform_indices = #map}, {transform_indices = #map1}, {transform_indices = #map}]} {
    %mul3A = arith.constant 2 : i32
    %mul3A_0 = arith.muli %arg1, %mul3A : i32
    %add3A = arith.addi %mul3A_0, %arg0 : i32
    %scan3A = arith.constant 0 : i32
    %scan3A_1 = arith.constant 0 : i32
    %scan3A_2 = arith.constant 26 : i32
    %scan3A_3 = arith.addi %scan3A_1, %scan3A_2 : i32
    %scan3A_4 = arith.constant 1 : i32
    scf.for %scan3A_6 = %scan3A_1 to %scan3A_3 step %scan3A_4  : i32 {
      "tpu.region"() ({
        %run_scoped3A = tpu.sem_alloc : memref<!tpu.dma_semaphore, #tpu.memory_space<semaphore_mem>>
        %dma_start3A = arith.constant 0 : i32
        %dma_start3A_13 = tpu.memref_slice %arg3[%scan3A_6, %dma_start3A] : memref<26x4096xi32, #tpu.memory_space<hbm>> -> memref<1x4096xi32, #tpu.memory_space<hbm>>
        %dma_start3A_14 = tpu.memref_squeeze %dma_start3A_13 : memref<1x4096xi32, #tpu.memory_space<hbm>> -> memref<4096xi32, #tpu.memory_space<hbm>>
        %dma_start3A_15 = arith.constant 0 : i32
        %dma_start3A_16 = tpu.memref_slice %arg3[%scan3A_6, %dma_start3A_15] : memref<26x4096xi32, #tpu.memory_space<hbm>> -> memref<1x4096xi32, #tpu.memory_space<hbm>>
        %dma_start3A_17 = tpu.memref_squeeze %dma_start3A_16 : memref<1x4096xi32, #tpu.memory_space<hbm>> -> memref<4096xi32, #tpu.memory_space<hbm>>
        tpu.enqueue_dma source(%dma_start3A_17 : memref<4096xi32, #tpu.memory_space<hbm>>) target(%arg6 : memref<4096xi32, #tpu.memory_space<vmem>>) target_semaphore(%run_scoped3A : memref<!tpu.dma_semaphore, #tpu.memory_space<semaphore_mem>>)
        %dma_wait3A = arith.constant 0 : i32
        %dma_wait3A_18 = tpu.memref_slice %arg3[%scan3A_6, %dma_wait3A] : memref<26x4096xi32, #tpu.memory_space<hbm>> -> memref<1x4096xi32, #tpu.memory_space<hbm>>
        %dma_wait3A_19 = tpu.memref_squeeze %dma_wait3A_18 : memref<1x4096xi32, #tpu.memory_space<hbm>> -> memref<4096xi32, #tpu.memory_space<hbm>>
        %dma_wait3A_20 = arith.constant 0 : i32
        %dma_wait3A_21 = tpu.memref_slice %arg3[%scan3A_6, %dma_wait3A_20] : memref<26x4096xi32, #tpu.memory_space<hbm>> -> memref<1x4096xi32, #tpu.memory_space<hbm>>
        %dma_wait3A_22 = tpu.memref_squeeze %dma_wait3A_21 : memref<1x4096xi32, #tpu.memory_space<hbm>> -> memref<4096xi32, #tpu.memory_space<hbm>>
        tpu.wait_dma2 semaphore(%run_scoped3A : memref<!tpu.dma_semaphore, #tpu.memory_space<semaphore_mem>>) src(%dma_wait3A_22 : memref<4096xi32, #tpu.memory_space<hbm>>) dst(%arg6 : memref<4096xi32, #tpu.memory_space<vmem>>)
        tpu.yield
      }) : () -> ()
      "tpu.region"() ({
        %run_scoped3A = tpu.sem_alloc : memref<!tpu.dma_semaphore, #tpu.memory_space<semaphore_mem>>
        %dma_start3A = arith.constant 0 : i32
        %dma_start3A_13 = tpu.memref_slice %arg2[%scan3A_6, %add3A, %dma_start3A] : memref<26x32x100000xf32, #tpu.memory_space<hbm>> -> memref<1x1x100000xf32, #tpu.memory_space<hbm>>
        %dma_start3A_14 = tpu.memref_squeeze %dma_start3A_13 : memref<1x1x100000xf32, #tpu.memory_space<hbm>> -> memref<100000xf32, #tpu.memory_space<hbm>>
        %dma_start3A_15 = arith.constant 0 : i32
        %dma_start3A_16 = tpu.memref_slice %arg2[%scan3A_6, %add3A, %dma_start3A_15] : memref<26x32x100000xf32, #tpu.memory_space<hbm>> -> memref<1x1x100000xf32, #tpu.memory_space<hbm>>
        %dma_start3A_17 = tpu.memref_squeeze %dma_start3A_16 : memref<1x1x100000xf32, #tpu.memory_space<hbm>> -> memref<100000xf32, #tpu.memory_space<hbm>>
        tpu.enqueue_dma source(%dma_start3A_17 : memref<100000xf32, #tpu.memory_space<hbm>>) target(%arg5 : memref<100000xf32, #tpu.memory_space<vmem>>) target_semaphore(%run_scoped3A : memref<!tpu.dma_semaphore, #tpu.memory_space<semaphore_mem>>)
        %dma_wait3A = arith.constant 0 : i32
        %dma_wait3A_18 = tpu.memref_slice %arg2[%scan3A_6, %add3A, %dma_wait3A] : memref<26x32x100000xf32, #tpu.memory_space<hbm>> -> memref<1x1x100000xf32, #tpu.memory_space<hbm>>
        %dma_wait3A_19 = tpu.memref_squeeze %dma_wait3A_18 : memref<1x1x100000xf32, #tpu.memory_space<hbm>> -> memref<100000xf32, #tpu.memory_space<hbm>>
        %dma_wait3A_20 = arith.constant 0 : i32
        %dma_wait3A_21 = tpu.memref_slice %arg2[%scan3A_6, %add3A, %dma_wait3A_20] : memref<26x32x100000xf32, #tpu.memory_space<hbm>> -> memref<1x1x100000xf32, #tpu.memory_space<hbm>>
        %dma_wait3A_22 = tpu.memref_squeeze %dma_wait3A_21 : memref<1x1x100000xf32, #tpu.memory_space<hbm>> -> memref<100000xf32, #tpu.memory_space<hbm>>
        tpu.wait_dma2 semaphore(%run_scoped3A : memref<!tpu.dma_semaphore, #tpu.memory_space<semaphore_mem>>) src(%dma_wait3A_22 : memref<100000xf32, #tpu.memory_space<hbm>>) dst(%arg5 : memref<100000xf32, #tpu.memory_space<vmem>>)
        tpu.yield
      }) : () -> ()
      %scan3A_7 = arith.constant 0 : i32
      %scan3A_8 = arith.constant 0 : i32
      %scan3A_9 = arith.constant 32 : i32
      %scan3A_10 = arith.addi %scan3A_8, %scan3A_9 : i32
      %scan3A_11 = arith.constant 1 : i32
      scf.for %scan3A_13 = %scan3A_8 to %scan3A_10 step %scan3A_11  : i32 {
        %mul3A_14 = arith.constant 128 : i32
        %mul3A_15 = arith.muli %scan3A_13, %mul3A_14 : i32
        %multiple_of3A = tpu.assume_multiple %mul3A_15, 16 : i32
        %add3A_16 = arith.constant 0 : i32
        %add3A_17 = arith.addi %multiple_of3A, %add3A_16 : i32
        %multiple_of3A_18 = tpu.assume_multiple %add3A_17, 16 : i32
        %get3A = arith.index_cast %multiple_of3A_18 : i32 to index
        %get3A_19 = tpu.vector_load %arg6[%get3A] {strides = array<i32>} : memref<4096xi32, #tpu.memory_space<vmem>>, vector<16xi32>,
        %gather3A = tpu.vector_load_idx %arg5[%get3A_19] : memref<100000xf32, #tpu.memory_space<vmem>>[vector<16xi32>], vector<16xf32>,
        %swap3A = arith.index_cast %multiple_of3A_18 : i32 to index
        %swap3A_20 = tpu.vector_load %arg7[%swap3A] {strides = array<i32>} : memref<4096xf32, #tpu.memory_space<vmem>>, vector<16xf32>,
        tpu.vector_store %arg7[%swap3A], %gather3A {strides = array<i32>} : memref<4096xf32, #tpu.memory_space<vmem>>, vector<16xf32>,
        %add3A_21 = arith.constant 16 : i32
        %add3A_22 = arith.addi %multiple_of3A, %add3A_21 : i32
        %multiple_of3A_23 = tpu.assume_multiple %add3A_22, 16 : i32
        %get3A_24 = arith.index_cast %multiple_of3A_23 : i32 to index
        %get3A_25 = tpu.vector_load %arg6[%get3A_24] {strides = array<i32>} : memref<4096xi32, #tpu.memory_space<vmem>>, vector<16xi32>,
        %gather3A_26 = tpu.vector_load_idx %arg5[%get3A_25] : memref<100000xf32, #tpu.memory_space<vmem>>[vector<16xi32>], vector<16xf32>,
        %swap3A_27 = arith.index_cast %multiple_of3A_23 : i32 to index
        %swap3A_28 = tpu.vector_load %arg7[%swap3A_27] {strides = array<i32>} : memref<4096xf32, #tpu.memory_space<vmem>>, vector<16xf32>,
        tpu.vector_store %arg7[%swap3A_27], %gather3A_26 {strides = array<i32>} : memref<4096xf32, #tpu.memory_space<vmem>>, vector<16xf32>,
        %add3A_29 = arith.constant 32 : i32
        %add3A_30 = arith.addi %multiple_of3A, %add3A_29 : i32
        %multiple_of3A_31 = tpu.assume_multiple %add3A_30, 16 : i32
        %get3A_32 = arith.index_cast %multiple_of3A_31 : i32 to index
        %get3A_33 = tpu.vector_load %arg6[%get3A_32] {strides = array<i32>} : memref<4096xi32, #tpu.memory_space<vmem>>, vector<16xi32>,
        %gather3A_34 = tpu.vector_load_idx %arg5[%get3A_33] : memref<100000xf32, #tpu.memory_space<vmem>>[vector<16xi32>], vector<16xf32>,
        %swap3A_35 = arith.index_cast %multiple_of3A_31 : i32 to index
        %swap3A_36 = tpu.vector_load %arg7[%swap3A_35] {strides = array<i32>} : memref<4096xf32, #tpu.memory_space<vmem>>, vector<16xf32>,
        tpu.vector_store %arg7[%swap3A_35], %gather3A_34 {strides = array<i32>} : memref<4096xf32, #tpu.memory_space<vmem>>, vector<16xf32>,
        %add3A_37 = arith.constant 48 : i32
        %add3A_38 = arith.addi %multiple_of3A, %add3A_37 : i32
        %multiple_of3A_39 = tpu.assume_multiple %add3A_38, 16 : i32
        %get3A_40 = arith.index_cast %multiple_of3A_39 : i32 to index
        %get3A_41 = tpu.vector_load %arg6[%get3A_40] {strides = array<i32>} : memref<4096xi32, #tpu.memory_space<vmem>>, vector<16xi32>,
        %gather3A_42 = tpu.vector_load_idx %arg5[%get3A_41] : memref<100000xf32, #tpu.memory_space<vmem>>[vector<16xi32>], vector<16xf32>,
        %swap3A_43 = arith.index_cast %multiple_of3A_39 : i32 to index
        %swap3A_44 = tpu.vector_load %arg7[%swap3A_43] {strides = array<i32>} : memref<4096xf32, #tpu.memory_space<vmem>>, vector<16xf32>,
        tpu.vector_store %arg7[%swap3A_43], %gather3A_42 {strides = array<i32>} : memref<4096xf32, #tpu.memory_space<vmem>>, vector<16xf32>,
        %add3A_45 = arith.constant 64 : i32
        %add3A_46 = arith.addi %multiple_of3A, %add3A_45 : i32
        %multiple_of3A_47 = tpu.assume_multiple %add3A_46, 16 : i32
        %get3A_48 = arith.index_cast %multiple_of3A_47 : i32 to index
        %get3A_49 = tpu.vector_load %arg6[%get3A_48] {strides = array<i32>} : memref<4096xi32, #tpu.memory_space<vmem>>, vector<16xi32>,
        %gather3A_50 = tpu.vector_load_idx %arg5[%get3A_49] : memref<100000xf32, #tpu.memory_space<vmem>>[vector<16xi32>], vector<16xf32>,
        %swap3A_51 = arith.index_cast %multiple_of3A_47 : i32 to index
        %swap3A_52 = tpu.vector_load %arg7[%swap3A_51] {strides = array<i32>} : memref<4096xf32, #tpu.memory_space<vmem>>, vector<16xf32>,
        tpu.vector_store %arg7[%swap3A_51], %gather3A_50 {strides = array<i32>} : memref<4096xf32, #tpu.memory_space<vmem>>, vector<16xf32>,
        %add3A_53 = arith.constant 80 : i32
        %add3A_54 = arith.addi %multiple_of3A, %add3A_53 : i32
        %multiple_of3A_55 = tpu.assume_multiple %add3A_54, 16 : i32
        %get3A_56 = arith.index_cast %multiple_of3A_55 : i32 to index
        %get3A_57 = tpu.vector_load %arg6[%get3A_56] {strides = array<i32>} : memref<4096xi32, #tpu.memory_space<vmem>>, vector<16xi32>,
        %gather3A_58 = tpu.vector_load_idx %arg5[%get3A_57] : memref<100000xf32, #tpu.memory_space<vmem>>[vector<16xi32>], vector<16xf32>,
        %swap3A_59 = arith.index_cast %multiple_of3A_55 : i32 to index
        %swap3A_60 = tpu.vector_load %arg7[%swap3A_59] {strides = array<i32>} : memref<4096xf32, #tpu.memory_space<vmem>>, vector<16xf32>,
        tpu.vector_store %arg7[%swap3A_59], %gather3A_58 {strides = array<i32>} : memref<4096xf32, #tpu.memory_space<vmem>>, vector<16xf32>,
        %add3A_61 = arith.constant 96 : i32
        %add3A_62 = arith.addi %multiple_of3A, %add3A_61 : i32
        %multiple_of3A_63 = tpu.assume_multiple %add3A_62, 16 : i32
        %get3A_64 = arith.index_cast %multiple_of3A_63 : i32 to index
        %get3A_65 = tpu.vector_load %arg6[%get3A_64] {strides = array<i32>} : memref<4096xi32, #tpu.memory_space<vmem>>, vector<16xi32>,
        %gather3A_66 = tpu.vector_load_idx %arg5[%get3A_65] : memref<100000xf32, #tpu.memory_space<vmem>>[vector<16xi32>], vector<16xf32>,
        %swap3A_67 = arith.index_cast %multiple_of3A_63 : i32 to index
        %swap3A_68 = tpu.vector_load %arg7[%swap3A_67] {strides = array<i32>} : memref<4096xf32, #tpu.memory_space<vmem>>, vector<16xf32>,
        tpu.vector_store %arg7[%swap3A_67], %gather3A_66 {strides = array<i32>} : memref<4096xf32, #tpu.memory_space<vmem>>, vector<16xf32>,
        %add3A_69 = arith.constant 112 : i32
        %add3A_70 = arith.addi %multiple_of3A, %add3A_69 : i32
        %multiple_of3A_71 = tpu.assume_multiple %add3A_70, 16 : i32
        %get3A_72 = arith.index_cast %multiple_of3A_71 : i32 to index
        %get3A_73 = tpu.vector_load %arg6[%get3A_72] {strides = array<i32>} : memref<4096xi32, #tpu.memory_space<vmem>>, vector<16xi32>,
        %gather3A_74 = tpu.vector_load_idx %arg5[%get3A_73] : memref<100000xf32, #tpu.memory_space<vmem>>[vector<16xi32>], vector<16xf32>,
        %swap3A_75 = arith.index_cast %multiple_of3A_71 : i32 to index
        %swap3A_76 = tpu.vector_load %arg7[%swap3A_75] {strides = array<i32>} : memref<4096xf32, #tpu.memory_space<vmem>>, vector<16xf32>,
        tpu.vector_store %arg7[%swap3A_75], %gather3A_74 {strides = array<i32>} : memref<4096xf32, #tpu.memory_space<vmem>>, vector<16xf32>,
      }
      %scan3A_12 = arith.constant 32 : i32
      "tpu.region"() ({
        %run_scoped3A = tpu.sem_alloc : memref<!tpu.dma_semaphore, #tpu.memory_space<semaphore_mem>>
        %dma_start3A = arith.constant 0 : i32
        %dma_start3A_13 = tpu.memref_slice %arg4[%scan3A_6, %add3A, %dma_start3A] : memref<26x32x4096xf32, #tpu.memory_space<hbm>> -> memref<1x1x4096xf32, #tpu.memory_space<hbm>>
        %dma_start3A_14 = tpu.memref_squeeze %dma_start3A_13 : memref<1x1x4096xf32, #tpu.memory_space<hbm>> -> memref<4096xf32, #tpu.memory_space<hbm>>
        %dma_start3A_15 = arith.constant 0 : i32
        %dma_start3A_16 = tpu.memref_slice %arg4[%scan3A_6, %add3A, %dma_start3A_15] : memref<26x32x4096xf32, #tpu.memory_space<hbm>> -> memref<1x1x4096xf32, #tpu.memory_space<hbm>>
        %dma_start3A_17 = tpu.memref_squeeze %dma_start3A_16 : memref<1x1x4096xf32, #tpu.memory_space<hbm>> -> memref<4096xf32, #tpu.memory_space<hbm>>
        tpu.enqueue_dma source(%arg7 : memref<4096xf32, #tpu.memory_space<vmem>>) target(%dma_start3A_17 : memref<4096xf32, #tpu.memory_space<hbm>>) target_semaphore(%run_scoped3A : memref<!tpu.dma_semaphore, #tpu.memory_space<semaphore_mem>>)
        %dma_wait3A = arith.constant 0 : i32
        %dma_wait3A_18 = tpu.memref_slice %arg4[%scan3A_6, %add3A, %dma_wait3A] : memref<26x32x4096xf32, #tpu.memory_space<hbm>> -> memref<1x1x4096xf32, #tpu.memory_space<hbm>>
        %dma_wait3A_19 = tpu.memref_squeeze %dma_wait3A_18 : memref<1x1x4096xf32, #tpu.memory_space<hbm>> -> memref<4096xf32, #tpu.memory_space<hbm>>
        %dma_wait3A_20 = arith.constant 0 : i32
        %dma_wait3A_21 = tpu.memref_slice %arg4[%scan3A_6, %add3A, %dma_wait3A_20] : memref<26x32x4096xf32, #tpu.memory_space<hbm>> -> memref<1x1x4096xf32, #tpu.memory_space<hbm>>
        %dma_wait3A_22 = tpu.memref_squeeze %dma_wait3A_21 : memref<1x1x4096xf32, #tpu.memory_space<hbm>> -> memref<4096xf32, #tpu.memory_space<hbm>>
        tpu.wait_dma2 semaphore(%run_scoped3A : memref<!tpu.dma_semaphore, #tpu.memory_space<semaphore_mem>>) src(%arg7 : memref<4096xf32, #tpu.memory_space<vmem>>) dst(%dma_wait3A_22 : memref<4096xf32, #tpu.memory_space<hbm>>)
        tpu.yield
      }) : () -> ()
    }
    %scan3A_5 = arith.constant 26 : i32
    return
  }
}

module attributes {stable_mosaic.version = 14 : i64} {
  func.func @_mlp_body(%arg0: i32, %arg1: memref<832x2048xf32, #tpu.memory_space<vmem>>, %arg2: memref<832x256xf32, #tpu.memory_space<vmem>>, %arg3: memref<256x1xf32, #tpu.memory_space<vmem>>, %arg4: memref<256x128xf32, #tpu.memory_space<vmem>>, %arg5: memref<128x1xf32, #tpu.memory_space<vmem>>, %arg6: memref<128x1xf32, #tpu.memory_space<vmem>>, %arg7: memref<1x1xf32, #tpu.memory_space<smem>>, %arg8: memref<832x256xf32, #tpu.memory_space<vmem>>, %arg9: memref<256x1xf32, #tpu.memory_space<vmem>>, %arg10: memref<256x128xf32, #tpu.memory_space<vmem>>, %arg11: memref<128x1xf32, #tpu.memory_space<vmem>>, %arg12: memref<128x1xf32, #tpu.memory_space<vmem>>, %arg13: memref<1x1xf32, #tpu.memory_space<smem>>, %arg14: memref<3x2048xf32, #tpu.memory_space<vmem>>) attributes {dimension_semantics = [#tpu.dimension_semantics<arbitrary>], iteration_bounds = array<i64: 2>, scalar_prefetch = 0 : i64, scratch_operands = 0 : i64, tpu.core_type = #tpu.core_type<tc>, window_params = [{transform_indices = @transform_0, window_bounds = array<i64: 832, 2048>}, {pipeline_mode = #tpu.pipeline_mode<synchronous>, transform_indices = @transform_1, window_bounds = array<i64: 832, 256>}, {pipeline_mode = #tpu.pipeline_mode<synchronous>, transform_indices = @transform_2, window_bounds = array<i64: 256, 1>}, {pipeline_mode = #tpu.pipeline_mode<synchronous>, transform_indices = @transform_3, window_bounds = array<i64: 256, 128>}, {pipeline_mode = #tpu.pipeline_mode<synchronous>, transform_indices = @transform_4, window_bounds = array<i64: 128, 1>}, {pipeline_mode = #tpu.pipeline_mode<synchronous>, transform_indices = @transform_5, window_bounds = array<i64: 128, 1>}, {transform_indices = @transform_6, window_bounds = array<i64: 1, 1>}, {pipeline_mode = #tpu.pipeline_mode<synchronous>, transform_indices = @transform_7, window_bounds = array<i64: 832, 256>}, {pipeline_mode = #tpu.pipeline_mode<synchronous>, transform_indices = @transform_8, window_bounds = array<i64: 256, 1>}, {pipeline_mode = #tpu.pipeline_mode<synchronous>, transform_indices = @transform_9, window_bounds = array<i64: 256, 128>}, {pipeline_mode = #tpu.pipeline_mode<synchronous>, transform_indices = @transform_10, window_bounds = array<i64: 128, 1>}, {pipeline_mode = #tpu.pipeline_mode<synchronous>, transform_indices = @transform_11, window_bounds = array<i64: 128, 1>}, {transform_indices = @transform_12, window_bounds = array<i64: 1, 1>}, {transform_indices = @transform_13, window_bounds = array<i64: 3, 2048>}]} {
    %get3A = arith.constant 0 : index
    %get3A_0 = arith.constant 0 : index
    %get3A_1 = vector.load %arg1[%get3A, %get3A_0] : memref<832x2048xf32, #tpu.memory_space<vmem>>, vector<832x2048xf32>
    %convert_element_type3A = arith.truncf %get3A_1 : vector<832x2048xf32> to vector<832x2048xbf16>
    %get3A_2 = arith.constant 0 : index
    %get3A_3 = arith.constant 0 : index
    %get3A_4 = vector.load %arg2[%get3A_2, %get3A_3] : memref<832x256xf32, #tpu.memory_space<vmem>>, vector<832x256xf32>
    %convert_element_type3A_5 = arith.truncf %get3A_4 : vector<832x256xf32> to vector<832x256xbf16>
    %dot_general3A = arith.constant dense<0.000000e+00> : vector<256x2048xf32>
    %dot_general3A_6 = tpu.matmul %convert_element_type3A_5, %convert_element_type3A, %dot_general3A {dimension_numbers = #tpu.dot_dimension_numbers<[0], [0], [1], [1], [0, 1, 1, 1], [], []>, transpose_lhs_hint = false} : vector<832x256xbf16>, vector<832x2048xbf16>, vector<256x2048xf32> -> vector<256x2048xf32>
    %get3A_7 = arith.constant 0 : index
    %get3A_8 = arith.constant 0 : index
    %get3A_9 = vector.load %arg3[%get3A_7, %get3A_8] : memref<256x1xf32, #tpu.memory_space<vmem>>, vector<256x1xf32>
    %add3A = vector.broadcast %get3A_9 : vector<256x1xf32> to vector<256x2048xf32>
    %add3A_10 = arith.addf %dot_general3A_6, %add3A : vector<256x2048xf32>
    %max3A = arith.constant 0.000000e+00 : f32
    %max3A_11 = vector.broadcast %max3A : f32 to vector<256x2048xf32>
    %max3A_12 = arith.maximumf %add3A_10, %max3A_11 : vector<256x2048xf32>
    %convert_element_type3A_13 = arith.truncf %max3A_12 : vector<256x2048xf32> to vector<256x2048xbf16>
    %get3A_14 = arith.constant 0 : index
    %get3A_15 = arith.constant 0 : index
    %get3A_16 = vector.load %arg4[%get3A_14, %get3A_15] : memref<256x128xf32, #tpu.memory_space<vmem>>, vector<256x128xf32>
    %convert_element_type3A_17 = arith.truncf %get3A_16 : vector<256x128xf32> to vector<256x128xbf16>
    %dot_general3A_18 = arith.constant dense<0.000000e+00> : vector<128x2048xf32>
    %dot_general3A_19 = tpu.matmul %convert_element_type3A_17, %convert_element_type3A_13, %dot_general3A_18 {dimension_numbers = #tpu.dot_dimension_numbers<[0], [0], [1], [1], [0, 1, 1, 1], [], []>, transpose_lhs_hint = false} : vector<256x128xbf16>, vector<256x2048xbf16>, vector<128x2048xf32> -> vector<128x2048xf32>
    %get3A_20 = arith.constant 0 : index
    %get3A_21 = arith.constant 0 : index
    %get3A_22 = vector.load %arg5[%get3A_20, %get3A_21] : memref<128x1xf32, #tpu.memory_space<vmem>>, vector<128x1xf32>
    %add3A_23 = vector.broadcast %get3A_22 : vector<128x1xf32> to vector<128x2048xf32>
    %add3A_24 = arith.addf %dot_general3A_19, %add3A_23 : vector<128x2048xf32>
    %max3A_25 = arith.constant 0.000000e+00 : f32
    %max3A_26 = vector.broadcast %max3A_25 : f32 to vector<128x2048xf32>
    %max3A_27 = arith.maximumf %add3A_24, %max3A_26 : vector<128x2048xf32>
    %convert_element_type3A_28 = arith.truncf %max3A_27 : vector<128x2048xf32> to vector<128x2048xbf16>
    %get3A_29 = arith.constant 0 : index
    %get3A_30 = arith.constant 0 : index
    %get3A_31 = vector.load %arg6[%get3A_29, %get3A_30] : memref<128x1xf32, #tpu.memory_space<vmem>>, vector<128x1xf32>
    %convert_element_type3A_32 = arith.truncf %get3A_31 : vector<128x1xf32> to vector<128x1xbf16>
    %dot_general3A_33 = arith.constant dense<0.000000e+00> : vector<1x2048xf32>
    %dot_general3A_34 = tpu.matmul %convert_element_type3A_32, %convert_element_type3A_28, %dot_general3A_33 {dimension_numbers = #tpu.dot_dimension_numbers<[0], [0], [1], [1], [0, 1, 1, 1], [], []>, transpose_lhs_hint = false} : vector<128x1xbf16>, vector<128x2048xbf16>, vector<1x2048xf32> -> vector<1x2048xf32>
    %get3A_35 = arith.constant 0 : index
    %get3A_36 = arith.constant 0 : index
    %get3A_37 = memref.load %arg7[%get3A_35, %get3A_36] : memref<1x1xf32, #tpu.memory_space<smem>>
    %add3A_38 = vector.broadcast %get3A_37 : f32 to vector<1x2048xf32>
    %add3A_39 = arith.addf %dot_general3A_34, %add3A_38 : vector<1x2048xf32>
    %get3A_40 = arith.constant 0 : index
    %get3A_41 = arith.constant 0 : index
    %get3A_42 = vector.load %arg8[%get3A_40, %get3A_41] : memref<832x256xf32, #tpu.memory_space<vmem>>, vector<832x256xf32>
    %convert_element_type3A_43 = arith.truncf %get3A_42 : vector<832x256xf32> to vector<832x256xbf16>
    %dot_general3A_44 = arith.constant dense<0.000000e+00> : vector<256x2048xf32>
    %dot_general3A_45 = tpu.matmul %convert_element_type3A_43, %convert_element_type3A, %dot_general3A_44 {dimension_numbers = #tpu.dot_dimension_numbers<[0], [0], [1], [1], [0, 1, 1, 1], [], []>, transpose_lhs_hint = false} : vector<832x256xbf16>, vector<832x2048xbf16>, vector<256x2048xf32> -> vector<256x2048xf32>
    %get3A_46 = arith.constant 0 : index
    %get3A_47 = arith.constant 0 : index
    %get3A_48 = vector.load %arg9[%get3A_46, %get3A_47] : memref<256x1xf32, #tpu.memory_space<vmem>>, vector<256x1xf32>
    %add3A_49 = vector.broadcast %get3A_48 : vector<256x1xf32> to vector<256x2048xf32>
    %add3A_50 = arith.addf %dot_general3A_45, %add3A_49 : vector<256x2048xf32>
    %max3A_51 = arith.constant 0.000000e+00 : f32
    %max3A_52 = vector.broadcast %max3A_51 : f32 to vector<256x2048xf32>
    %max3A_53 = arith.maximumf %add3A_50, %max3A_52 : vector<256x2048xf32>
    %convert_element_type3A_54 = arith.truncf %max3A_53 : vector<256x2048xf32> to vector<256x2048xbf16>
    %get3A_55 = arith.constant 0 : index
    %get3A_56 = arith.constant 0 : index
    %get3A_57 = vector.load %arg10[%get3A_55, %get3A_56] : memref<256x128xf32, #tpu.memory_space<vmem>>, vector<256x128xf32>
    %convert_element_type3A_58 = arith.truncf %get3A_57 : vector<256x128xf32> to vector<256x128xbf16>
    %dot_general3A_59 = arith.constant dense<0.000000e+00> : vector<128x2048xf32>
    %dot_general3A_60 = tpu.matmul %convert_element_type3A_58, %convert_element_type3A_54, %dot_general3A_59 {dimension_numbers = #tpu.dot_dimension_numbers<[0], [0], [1], [1], [0, 1, 1, 1], [], []>, transpose_lhs_hint = false} : vector<256x128xbf16>, vector<256x2048xbf16>, vector<128x2048xf32> -> vector<128x2048xf32>
    %get3A_61 = arith.constant 0 : index
    %get3A_62 = arith.constant 0 : index
    %get3A_63 = vector.load %arg11[%get3A_61, %get3A_62] : memref<128x1xf32, #tpu.memory_space<vmem>>, vector<128x1xf32>
    %add3A_64 = vector.broadcast %get3A_63 : vector<128x1xf32> to vector<128x2048xf32>
    %add3A_65 = arith.addf %dot_general3A_60, %add3A_64 : vector<128x2048xf32>
    %max3A_66 = arith.constant 0.000000e+00 : f32
    %max3A_67 = vector.broadcast %max3A_66 : f32 to vector<128x2048xf32>
    %max3A_68 = arith.maximumf %add3A_65, %max3A_67 : vector<128x2048xf32>
    %convert_element_type3A_69 = arith.truncf %max3A_68 : vector<128x2048xf32> to vector<128x2048xbf16>
    %get3A_70 = arith.constant 0 : index
    %get3A_71 = arith.constant 0 : index
    %get3A_72 = vector.load %arg12[%get3A_70, %get3A_71] : memref<128x1xf32, #tpu.memory_space<vmem>>, vector<128x1xf32>
    %convert_element_type3A_73 = arith.truncf %get3A_72 : vector<128x1xf32> to vector<128x1xbf16>
    %dot_general3A_74 = arith.constant dense<0.000000e+00> : vector<1x2048xf32>
    %dot_general3A_75 = tpu.matmul %convert_element_type3A_73, %convert_element_type3A_69, %dot_general3A_74 {dimension_numbers = #tpu.dot_dimension_numbers<[0], [0], [1], [1], [0, 1, 1, 1], [], []>, transpose_lhs_hint = false} : vector<128x1xbf16>, vector<128x2048xbf16>, vector<1x2048xf32> -> vector<1x2048xf32>
    %get3A_76 = arith.constant 0 : index
    %get3A_77 = arith.constant 0 : index
    %get3A_78 = memref.load %arg13[%get3A_76, %get3A_77] : memref<1x1xf32, #tpu.memory_space<smem>>
    %add3A_79 = vector.broadcast %get3A_78 : f32 to vector<1x2048xf32>
    %add3A_80 = arith.addf %dot_general3A_75, %add3A_79 : vector<1x2048xf32>
    %neg3A = arith.constant 0.000000e+00 : f32
    %neg3A_81 = vector.broadcast %neg3A : f32 to vector<1x2048xf32>
    %neg3A_82 = arith.subf %neg3A_81, %add3A_39 : vector<1x2048xf32>
    %exp3A = math.exp %neg3A_82 : vector<1x2048xf32>
    %add3A_83 = arith.constant 1.000000e+00 : f32
    %add3A_84 = vector.broadcast %add3A_83 : f32 to vector<1x2048xf32>
    %add3A_85 = arith.addf %add3A_84, %exp3A : vector<1x2048xf32>
    %div3A = arith.constant 1.000000e+00 : f32
    %div3A_86 = vector.broadcast %div3A : f32 to vector<1x2048xf32>
    %div3A_87 = arith.divf %div3A_86, %add3A_85 : vector<1x2048xf32>
    %neg3A_88 = arith.constant 0.000000e+00 : f32
    %neg3A_89 = vector.broadcast %neg3A_88 : f32 to vector<1x2048xf32>
    %neg3A_90 = arith.subf %neg3A_89, %add3A_80 : vector<1x2048xf32>
    %exp3A_91 = math.exp %neg3A_90 : vector<1x2048xf32>
    %add3A_92 = arith.constant 1.000000e+00 : f32
    %add3A_93 = vector.broadcast %add3A_92 : f32 to vector<1x2048xf32>
    %add3A_94 = arith.addf %add3A_93, %exp3A_91 : vector<1x2048xf32>
    %div3A_95 = arith.constant 1.000000e+00 : f32
    %div3A_96 = vector.broadcast %div3A_95 : f32 to vector<1x2048xf32>
    %div3A_97 = arith.divf %div3A_96, %add3A_94 : vector<1x2048xf32>
    %mul3A = arith.mulf %div3A_87, %div3A_97 : vector<1x2048xf32>
    %concatenate3A = tpu.concatenate %div3A_87, %div3A_97, %mul3A in 0 : vector<1x2048xf32>, vector<1x2048xf32>, vector<1x2048xf32> -> vector<3x2048xf32>
    %swap3A = arith.constant 0 : index
    %swap3A_98 = arith.constant 0 : index
    %swap3A_99 = vector.load %arg14[%swap3A, %swap3A_98] : memref<3x2048xf32, #tpu.memory_space<vmem>>, vector<3x2048xf32>
    tpu.vector_store %arg14[%swap3A, %swap3A_98], %concatenate3A {strides = array<i32>} : memref<3x2048xf32, #tpu.memory_space<vmem>>, vector<3x2048xf32>,
    return
  }
  func.func @transform_0(%arg0: i32) -> (i32, i32) {
    %c0_i32 = arith.constant 0 : i32
    %c0_i32_0 = arith.constant 0 : i32
    return %c0_i32, %arg0 : i32, i32
  }
  func.func @transform_1(%arg0: i32) -> (i32, i32) {
    %c0_i32 = arith.constant 0 : i32
    %c0_i32_0 = arith.constant 0 : i32
    %c0_i32_1 = arith.constant 0 : i32
    return %c0_i32, %c0_i32_0 : i32, i32
  }
  func.func @transform_2(%arg0: i32) -> (i32, i32) {
    %c0_i32 = arith.constant 0 : i32
    %c0_i32_0 = arith.constant 0 : i32
    %c0_i32_1 = arith.constant 0 : i32
    return %c0_i32, %c0_i32_0 : i32, i32
  }
  func.func @transform_3(%arg0: i32) -> (i32, i32) {
    %c0_i32 = arith.constant 0 : i32
    %c0_i32_0 = arith.constant 0 : i32
    %c0_i32_1 = arith.constant 0 : i32
    return %c0_i32, %c0_i32_0 : i32, i32
  }
  func.func @transform_4(%arg0: i32) -> (i32, i32) {
    %c0_i32 = arith.constant 0 : i32
    %c0_i32_0 = arith.constant 0 : i32
    %c0_i32_1 = arith.constant 0 : i32
    return %c0_i32, %c0_i32_0 : i32, i32
  }
  func.func @transform_5(%arg0: i32) -> (i32, i32) {
    %c0_i32 = arith.constant 0 : i32
    %c0_i32_0 = arith.constant 0 : i32
    %c0_i32_1 = arith.constant 0 : i32
    return %c0_i32, %c0_i32_0 : i32, i32
  }
  func.func @transform_6(%arg0: i32) -> (i32, i32) {
    %c0_i32 = arith.constant 0 : i32
    %c0_i32_0 = arith.constant 0 : i32
    %c0_i32_1 = arith.constant 0 : i32
    return %c0_i32, %c0_i32_0 : i32, i32
  }
  func.func @transform_7(%arg0: i32) -> (i32, i32) {
    %c0_i32 = arith.constant 0 : i32
    %c0_i32_0 = arith.constant 0 : i32
    %c0_i32_1 = arith.constant 0 : i32
    return %c0_i32, %c0_i32_0 : i32, i32
  }
  func.func @transform_8(%arg0: i32) -> (i32, i32) {
    %c0_i32 = arith.constant 0 : i32
    %c0_i32_0 = arith.constant 0 : i32
    %c0_i32_1 = arith.constant 0 : i32
    return %c0_i32, %c0_i32_0 : i32, i32
  }
  func.func @transform_9(%arg0: i32) -> (i32, i32) {
    %c0_i32 = arith.constant 0 : i32
    %c0_i32_0 = arith.constant 0 : i32
    %c0_i32_1 = arith.constant 0 : i32
    return %c0_i32, %c0_i32_0 : i32, i32
  }
  func.func @transform_10(%arg0: i32) -> (i32, i32) {
    %c0_i32 = arith.constant 0 : i32
    %c0_i32_0 = arith.constant 0 : i32
    %c0_i32_1 = arith.constant 0 : i32
    return %c0_i32, %c0_i32_0 : i32, i32
  }
  func.func @transform_11(%arg0: i32) -> (i32, i32) {
    %c0_i32 = arith.constant 0 : i32
    %c0_i32_0 = arith.constant 0 : i32
    %c0_i32_1 = arith.constant 0 : i32
    return %c0_i32, %c0_i32_0 : i32, i32
  }
  func.func @transform_12(%arg0: i32) -> (i32, i32) {
    %c0_i32 = arith.constant 0 : i32
    %c0_i32_0 = arith.constant 0 : i32
    %c0_i32_1 = arith.constant 0 : i32
    return %c0_i32, %c0_i32_0 : i32, i32
  }
  func.func @transform_13(%arg0: i32) -> (i32, i32) {
    %c0_i32 = arith.constant 0 : i32
    %c0_i32_0 = arith.constant 0 : i32
    return %c0_i32, %arg0 : i32, i32
  }
}

</mosaic_0001>

<sc_bundles>
// kernel: kernel.4.cloned.1.call-start
scs
__scs_entry_jumppad:
0x0: {  	(pc) =	sbr.rel $0x88, $3  }
0x1: {  	(tag) =	ssettag $0x0;
	lr =	simm.s32 $0x1  }
0x2: {  	[smem:$0x3F93] =	sst lr;
	_ =	strace $0xD0000000  }
0x3: {  	_ = 	snop  }
0x4: {  	_ = 	snop  }
0x5: {  	_ = 	snop  }
0x6: {  	_ = 	snop  }
0x7: {  	_ = 	snop  }
__scs_overlays_trampoline_lowered:
0x8: {  	[smem:$0x3FA2] =	sst s0  }
0x9: {  	[smem:$0x3FA3] =	sst s1  }
0xa: {  	[smem:$0x3FA4] =	sst s2  }
0xb: {  	[smem:$0x3FA5] =	sst s3  }
0xc: {  	[smem:$0x3FA6] =	sst s4  }
0xd: {  	[smem:$0x3FA7] =	sst s5  }
0xe: {  	[smem:$0x3FA8] =	sst s6  }
0xf: {  	[smem:$0x3FA9] =	sst s7  }
0x10: {  	[smem:$0x3FAA] =	sst s8  }
0x11: {  	[smem:$0x3FAB] =	sst s9;
	s0 =	simm.s32 @!p0 $0x0  }
0x12: {  	s1 =	sld [smem:$0x3F91];
	s0 =	simm.s32 @p0 $0x1  }
0x13: {  	[smem:$0x3FAC] =	sst s0;
	s0 =	simm.s32 @!p1 $0x0  }
0x14: {  	s2 =	sld [smem:$0x3F90];
	s0 =	simm.s32 @p1 $0x1  }
0x15: {  	[smem:$0x3FAD] =	sst s0;
	s0 =	simm.s32 @!p2 $0x0  }
0x16: {  	s3 =	sld [smem:$0x3FDB];
	s0 =	simm.s32 @p2 $0x1  }
0x17: {  	s4 =	simm.s32 $0x1BF5;
	[smem:$0x3FAF] =	sst s0  }
0x18: {  	s0 =	sld [smem:$0x3F92];
	_ =	swait.ge [sflag:s4], $0x0  }
0x19: {  	s7 =	sld [smem:$0x3F93]  }
0x1a: {  	s8 =	sadd.s32 $0xFFFFE003, lr  }
0x1b: {  	s9 =	sadd.s32 $0xFFFFFEF7, lr;
	s5 =	simm.s32 $0xFFFFFFFF;
	p2 =	slt.u32 s8, $0xFFFFF086  }
0x1c: {  	p1 =	slt.u32 s9, $0xF7A;
	s5 =	simm.s32 @!p2 $0x0  }
0x1d: {  	s5 =	simm.s32 @p1 $0x1;
	p0 =	seq.s32 s7, s2  }
0x1e: {  	s7 =	smul.u32 @!p0 $0xF7A, s2;
	p2 =	seq.s32 @!p0 s5, $0x0  }
0x1f: {  	s9 =	smul.u32 $0xF7A, s1;
	s8 =	simm.s32 @!p0 $0x1BF5;
	p2 =	por !p2, p0  }
0x20: {  	[sflag:s8] =	ssyncset.s32 @!p0 $0xFFFFF086;
	s6 =	sadd.s32 @!p0 s3, s7;
	s7 =	simm.s32 @!p0 $0x108  }
0x21: {  	s3 =	sadd.s32 s3, s9;
	s6 =	sadd.s32 @!p0 $0x88, s6;
	s7 =	simm.s32 @p2 $0x1082  }
0x22: {  	[simem:s7], [sflag:s8] =	dma.local @!p0 [hbm:s6], $0xF7A  }
0x23: {  	s9 =	sor.u32 $0xD0000000, s2;
	s6 =	simm.s32 $0x108;
	_ =	swait.ge @!p0 [sflag:s8], $0x0  }
0x24: {  	s3 =	sadd.s32 $0x88, s3;
	s6 =	simm.s32 @!p1 $0x1082;
	[sflag:s4] =	ssyncset.s32 $0xFFFFF086  }
0x25: {  	[simem:s6], [sflag:s4] =	dma.local [hbm:s3], $0xF7A  }
0x26: {  	[smem:$0x3F93] =	sst s1;
	(tag) =	ssettag s2;
	_ =	strace s9  }
0x27: {  	s1 =	sld [smem:$0x3FA3]  }
0x28: {  	s2 =	sld [smem:$0x3FA4]  }
0x29: {  	s4 =	sld [smem:$0x3FA6]  }
0x2a: {  	p0 =	seq.s32 s5, $0x0;
	s5 =	sld [smem:$0x3FA7]  }
0x2b: {  	s6 =	sld [smem:$0x3FA8]  }
0x2c: {  	s7 =	sld [smem:$0x3FA9]  }
0x2d: {  	s3 =	simm.s32 $0x108;
	s8 =	sld [smem:$0x3FAA]  }
0x2e: {  	s3 =	simm.s32 @!p0 $0x1082;
	s9 =	sld [smem:$0x3FAB]  }
0x2f: {  	lr =	sadd.s32 s0, s3;
	s0 =	sld [smem:$0x3FA2]  }
0x30: {  	s3 =	sld [smem:$0x3FA5]  }
0x31: {  	[smem:$0x3FAE] =	sst s10  }
0x32: {  	s10 =	sld [smem:$0x3FAC];
	_ =	sdelay $0x3  }
0x33: {  	p0 =	seq.s32 s10, $0x1;
	s10 =	sld [smem:$0x3FAE];
	_ =	sdelay $0x3  }
0x34: {  	[smem:$0x3FAE] =	sst s10  }
0x35: {  	s10 =	sld [smem:$0x3FAD];
	_ =	sdelay $0x3  }
0x36: {  	p1 =	seq.s32 s10, $0x1;
	s10 =	sld [smem:$0x3FAE];
	_ =	sdelay $0x3  }
0x37: {  	[smem:$0x3FAE] =	sst s10  }
0x38: {  	s10 =	sld [smem:$0x3FAF]  }
0x39: {  	_ = 	snop;
	(pc) =	sbr.ind lr, $3  }
0x3a: {  	_ = 	snop  }
0x3b: {  	_ = 	snop  }
0x3c: {  	p2 =	seq.s32 s10, $0x1;
	s10 =	sld [smem:$0x3FAE]  }
0x3d: {  	_ =	shalt  }
0x3e: {  	_ =	shalt  }
0x3f: {  	_ =	shalt  }
0x40: {  	_ =	shalt  }
0x41: {  	_ =	shalt  }
0x42: {  	_ =	shalt  }
0x43: {  	_ =	shalt  }
0x44: {  	_ =	shalt  }
0x45: {  	_ =	shalt  }
0x46: {  	_ =	shalt  }
0x47: {  	_ =	shalt  }
0x48: {  	_ =	shalt  }
0x49: {  	_ =	shalt  }
0x4a: {  	_ =	shalt  }
0x4b: {  	_ =	shalt  }
0x4c: {  	_ =	shalt  }
0x4d: {  	_ =	shalt  }
0x4e: {  	_ =	shalt  }
0x4f: {  	_ =	shalt  }
0x50: {  	_ =	shalt  }
0x51: {  	_ =	shalt  }
0x52: {  	_ =	shalt  }
0x53: {  	_ =	shalt  }
0x54: {  	_ =	shalt  }
0x55: {  	_ =	shalt  }
0x56: {  	_ =	shalt  }
0x57: {  	_ =	shalt  }
0x58: {  	_ =	shalt  }
0x59: {  	_ =	shalt  }
0x5a: {  	_ =	shalt  }
0x5b: {  	_ =	shalt  }
0x5c: {  	_ =	shalt  }
0x5d: {  	_ =	shalt  }
0x5e: {  	_ =	shalt  }
0x5f: {  	_ =	shalt  }
0x60: {  	_ =	shalt  }
0x61: {  	_ =	shalt  }
0x62: {  	_ =	shalt  }
0x63: {  	_ =	shalt  }
0x64: {  	_ =	shalt  }
0x65: {  	_ =	shalt  }
0x66: {  	_ =	shalt  }
0x67: {  	_ =	shalt  }
0x68: {  	_ =	shalt  }
0x69: {  	_ =	shalt  }
0x6a: {  	_ =	shalt  }
0x6b: {  	_ =	shalt  }
0x6c: {  	_ =	shalt  }
0x6d: {  	_ =	shalt  }
0x6e: {  	_ =	shalt  }
0x6f: {  	_ =	shalt  }
0x70: {  	_ =	shalt  }
0x71: {  	_ =	shalt  }
0x72: {  	_ =	shalt  }
0x73: {  	_ =	shalt  }
0x74: {  	_ =	shalt  }
0x75: {  	_ =	shalt  }
0x76: {  	_ =	shalt  }
0x77: {  	_ =	shalt  }
0x78: {  	_ =	shalt  }
0x79: {  	_ =	shalt  }
0x7a: {  	_ =	shalt  }
0x7b: {  	_ =	shalt  }
0x7c: {  	_ =	shalt  }
0x7d: {  	_ =	shalt  }
0x7e: {  	_ =	shalt  }
0x7f: {  	_ =	shalt  }
0x80: {  	_ =	shalt  }
0x81: {  	_ =	shalt  }
0x82: {  	_ =	shalt  }
0x83: {  	_ =	shalt  }
0x84: {  	_ =	shalt  }
0x85: {  	_ =	shalt  }
0x86: {  	_ =	shalt  }
0x87: {  	_ =	shalt  }
.Lfunc_end0:
.L_simem_size_0:
called_computation_lowered:
.L_overlay_start_0:
0x88: {  	s2 =	sld [smem:$0x3FD9]  }
0x89: {  	s3 =	sld [smem:$0x3FFE];
	_ =	sdelay $0x1  }
0x8a: {  	s1 =	srdreg.scid  }
0x8b: {  	s0 =	sand.u32 $0x1, s1  }
0x8c: {  	s17 =	sshll.u32 s0, $0xA;
	s2 =	sadd.s32 s3, s2  }
0x8d: {  	s2 =	sadd.s32 s2, s17  }
0x8e: {  	[smem:$0x3FBA] =	sst s2  }
0x8f: {  	_ = 	snop  }
0x90: {  	s2 =	sld [smem:$0x3FC9]  }
0x91: {  	s18 =	sld [smem:$0x3FC8];
	(tm) =	ssettm $0x1  }
0x92: {  	s4 =	sld [smem:$0x3FFB];
	_ =	sdelay $0x3  }
0x93: {  	_ =	strace s4  }
0x94: {  	s4 =	sld [smem:$0x3FFC];
	_ =	sdelay $0x3  }
0x95: {  	_ =	strace s4  }
0x96: {  	s4 =	sld [smem:$0x3FFD];
	_ =	sdelay $0x3  }
0x97: {  	_ =	strace s4  }
0x98: {  	_ =	strace $0x8FFFFFFF  }
0x99: {  	s19 =	sld [smem:$0x3FDB];
	_ =	sdelay $0x1  }
0x9a: {  	s5 =	simm.s32 $_scs_section_size  }
0x9b: {  	s6 =	simm.s32 $_size__tile_overlayer_lowered;
	s7 =	simm.s32 $_tile_overlayer_lowered  }
0x9c: {  	s22 =	simm.s32 $0x1BFF;
	s21 =	sshll.u32 s7, $0x1;
	s4 =	sadd.s32 s5, s19  }
0x9d: {  	s8 =	simm.s32 $0x0;
	s20 =	sshll.u32 s6, $0x1;
	s6 =	sadd.s32 s21, s4  }
0x9e: {  	[timem:s8], [sflag:s22] =	dma.local [hbm:s6], s20  }
0x9f: {  	_ =	swait.ge [sflag:s22], s20  }
0xa0: {  	s5 =	ssub.s32 $0x0, s20;
	[sflag:s22] =	ssyncset.done $0x0  }
0xa1: {  	[sflag:s22] =	ssyncadd.s32 s5;
	_ =	sdelay $0x1  }
0xa2: {  	s23 =	simm.s32 $0x1B8B  }
0xa3: {  	_ =	swait.ge [sflag:s23], $0x1  }
0xa4: {  	[sflag:s23] =	ssyncset.done $0x0  }
0xa5: {  	s25 =	simm.s32 $0x1B8E;
	s24 =	sld [smem:$0x3FFE];
	[sflag:s23] =	ssyncadd.s32 $0xFFFFFFFF  }
0xa6: {  	s26 =	simm.s32 $execute0_lowered;
	[smem:$0x3FD2] =	sst s25  }
0xa7: {  	s6 =	sshll.u32 s26, $0x1;
	_ =	strace $0x80000046;
	[dreg:$0x1] =	wrdreg $0xFFFFFFFF  }
0xa8: {  	s28 =	simm.s32 $_size_execute0_lowered;
	s4 =	sadd.s32 s4, s6;
	[dreg:$0x0] =	wrdreg $0x0  }
0xa9: {  	s6 =	sshll.u32 s28, $0x1;
	[dreg:$0x2] =	wrdreg s4  }
0xaa: {  	[dreg:$0x3] =	wrdreg s6  }
0xab: {  	[dreg:$0x4] =	wrdreg $0xC0  }
0xac: {  	_ =	task [dreg:s8], $0x5FFFF  }
0xad: {  	[dreg:$0x1] =	wrdreg $0xFFFFFFFF  }
0xae: {  	[dreg:$0x0] =	wrdreg $0x60  }
0xaf: {  	[dreg:$0x2] =	wrdreg s18  }
0xb0: {  	[dreg:$0x3] =	wrdreg s2  }
0xb1: {  	[dreg:$0x4] =	wrdreg s24  }
0xb2: {  	[dreg:$0x5] =	wrdreg $0x9  }
0xb3: {  	_ =	task.clear_ibuf [dreg:s8], $0x6FFFF;
	_ =	strace $0x90000046  }
0xb4: {  	s29 =	simm.s32 $0x9;
	_ =	strace $0x80000048  }
0xb5: {  	_ =	swait.ge [sflag:s29], $0x1  }
0xb6: {  	[sflag:s29] =	ssyncadd.s32 $0xFFFFFFFF  }
0xb7: {  	_ =	strace $0x90000048  }
0xb8: {  	_ =	sfence  }
0xb9: {  	s30 =	sld [smem:$0x0];
	_ =	sdelay $0x2  }
0xba: {  	s31 =	sshll.u32 s1, $0xD;
	s1 =	sshrl.u32 s1, $0x2  }
0xbb: {  	s3 =	sand.u32 $0x4000, s31;
	s1 =	sadd.s32 s1, s30  }
0xbc: {  	s0 =	sor.u32 s3, s0;
	s1 =	sshll.u32 s1, $0x11  }
0xbd: {  	s0 =	sor.u32 s1, s0  }
0xbe: {  	s0 =	sadd.s32 $0x8F2B, s0  }
0xbf: {  	[sflag:s0] =	ssyncadd.remote.s32 $0x1  }
0xc0: {  	_ =	sfence.sel $0xFFFF  }
0xc1: {  	[dreg:$0x0] =	wrdreg $0xFFFFFFFF;
	(pc) =	sbr.abs _section_cstart, $3  }
0xc2: {  	[dreg:$0x1] =	wrdreg $0xFFFFFFFF  }
0xc3: {  	_ =	task.clear_ibuf [dreg:s8], $0x2FFFF;
	_ =	strace $0x9FFFFFFF  }
0xc4: {  	(tm) =	ssettm $0x7FFFFFFF  }
0xc5: {  	_ =	shalt  }
tec
execute0_lowered:
.L_overlay_start_1:
0x0: {  	(tag) =	ssettag $0x1  }
0x1: {  	s1 =	rddreg [dreg:$0x0]  }
0x2: {  	s2 =	rddreg [dreg:$0x1]  }
0x3: {  	s5 =	rddreg [dreg:$0x2]  }
0x4: {  	s0 =	rddreg [dreg:$0x3];
	s3 =	simm.s32 $0x0  }
0x5: {  	s4 =	srdreg.scid;
	s13 =	simm.s32 $0x1;
	s14 =	simm.s32 $0x19700  }
0x6: {  	s15 =	simm.s32 $0x0;
	[smem:$0x7FF] =	sst s3;
	s6 =	sand.u32 $0x1, s4  }
0x7: {  	s4 =	stileid.u32;
	s5 =	sadd.s32 $0x1C00, s5;
	s7 =	ssub.s32 $0x2, s6  }
0x8: {  	s9 =	sshrl.u32 s4, $0x2;
	s10 =	sshll.u32 s4, $0x8;
	s6 =	sshll.u32 s6, $0x7  }
0x9: {  	s8 =	sshrl.u32 s7, $0x1;
	s10 =	sand.u32 $0x300, s10;
	s11 =	smul.u32 $0xC3800, s9  }
0xa: {  	_ =	strace $0x80000047;
	s12 =	ssub.s32 s7, s8;
	s6 =	sor.u32 s6, s10  }
0xb: {  	s8 =	sshll.u32 s9, $0xF;
	s10 =	simm.s32 $0x80;
	s7 =	sor.u32 s6, s11  }
0xc: {  	s9 =	smax.u32 s12, $0x1;
	s11 =	simm.s32 $0x400;
	s12 =	simm.s32 $0x18700  }
.LBB2_1:
0xd: {  	s16 =	simm.s32 $0x0  }
.LBB2_2:
0xe: {  	s17 =	sshll.u32 s16, $0x4  }
0xf: {  	s18 =	sshll.u32 s16, $0x9;
	s17 =	sand.u32 $0x70, s17  }
0x10: {  	s18 =	sand.u32 $0x3000, s18;
	s17 =	sadd.s32 s2, s17  }
0x11: {  	s29 =	smul.u32 $0x30E000, s16;
	s17 =	sadd.s32 s18, s17  }
0x12: {  	[tilespmem:s12], [sflag:$0x1] =	stream.strided.gather [hbm4b:s17+s10], $0x1000, s11, s10, $0x38;
	[tilespmem:$0x1A700] =	vst v63  }
0x13: {  	s30 =	sadd.s32 s7, s29;
	_ =	swait.ge [sflag:s13], $0x1000  }
0x14: {  	s17 =	sshrl.u32 s30, $0x3;
	[sflag:s13] =	ssyncset.done $0x0  }
0x15: {  	s31 =	simm.s32 $0x0;
	s17 =	sadd.s32 s1, s17;
	[sflag:s13] =	ssyncadd.s32 $0xFFFFF000  }
0x16: {  	[tilespmem:s31], [sflag:$0x1] =	stream.strided.gather [hbm4b:s17+s10], $0x18700, s11, s10, $0x38;
	[tilespmem:$0x1A700] =	vst v63  }
0x17: {  	_ =	swait.ge [sflag:s13], $0x18700  }
0x18: {  	[sflag:s13] =	ssyncset.done $0x0  }
0x19: {  	s17 =	simm.s32 $0x0;
	[sflag:s13] =	ssyncadd.s32 $0xFFFE7900  }
0x1a: {  	v0 =	vld [tilespmem:s17+$0x18700];
	_ =	sdelay $0x5  }
0x1b: {  	v1 =	vld [tilespmem:s17+$0x18710];
	_ =	sdelay $0x1  }
0x1c: {  	v0 =	vld.idx.msk [tilespmem:v0+s3+$0x0], $0xffff;
	_ =	sdelay $0x4  }
0x1d: {  	[tilespmem:s17+$0x19700] =	vst v0;
	v0 =	vld [tilespmem:s17+$0x18720]  }
0x1e: {  	v1 =	vld.idx.msk [tilespmem:v1+s3+$0x0], $0xffff;
	_ =	sdelay $0x4  }
0x1f: {  	[tilespmem:s17+$0x19710] =	vst v1;
	v1 =	vld [tilespmem:s17+$0x18730];
	_ =	sdelay $0x1  }
0x20: {  	v0 =	vld.idx.msk [tilespmem:v0+s3+$0x0], $0xffff;
	_ =	sdelay $0x4  }
0x21: {  	[tilespmem:s17+$0x19720] =	vst v0;
	v0 =	vld [tilespmem:s17+$0x18740]  }
0x22: {  	v1 =	vld.idx.msk [tilespmem:v1+s3+$0x0], $0xffff;
	_ =	sdelay $0x4  }
0x23: {  	[tilespmem:s17+$0x19730] =	vst v1;
	v1 =	vld [tilespmem:s17+$0x18750];
	_ =	sdelay $0x1  }
0x24: {  	v0 =	vld.idx.msk [tilespmem:v0+s3+$0x0], $0xffff;
	_ =	sdelay $0x4  }
0x25: {  	v2 =	vld [tilespmem:s17+$0x18760];
	[tilespmem:s17+$0x19740] =	vst v0  }
0x26: {  	v0 =	vld.idx.msk [tilespmem:v1+s3+$0x0], $0xffff;
	_ =	sdelay $0x4  }
0x27: {  	[tilespmem:s17+$0x19750] =	vst v0;
	v0 =	vld [tilespmem:s17+$0x18770];
	_ =	sdelay $0x1  }
0x28: {  	v1 =	vld.idx.msk [tilespmem:v2+s3+$0x0], $0xffff;
	_ =	sdelay $0x3  }
0x29: {  	s19 =	simm.s32 $0x80;
	s18 =	simm.s32 $0x400  }
.LBB2_3:
0x2a: {  	p0 =	sne.s32 s18, $0x3E00;
	v2 =	vld [tilespmem:s19+$0x18700];
	[tilespmem:s17+$0x19760] =	vst v1  }
0x2b: {  	v0 =	vld.idx.msk [tilespmem:v0+s3+$0x0], $0xffff;
	_ =	sdelay $0x5  }
0x2c: {  	v1 =	vld [tilespmem:s19+$0x18710];
	[tilespmem:s17+$0x19770] =	vst v0;
	s17 =	smov.u32 s19  }
0x2d: {  	v0 =	vld.idx.msk [tilespmem:v2+s3+$0x0], $0xffff;
	_ =	sdelay $0x5  }
0x2e: {  	[tilespmem:s17+$0x19700] =	vst v0;
	v0 =	vld [tilespmem:s17+$0x18720]  }
0x2f: {  	v1 =	vld.idx.msk [tilespmem:v1+s3+$0x0], $0xffff;
	_ =	sdelay $0x5  }
0x30: {  	[tilespmem:s17+$0x19710] =	vst v1;
	v1 =	vld [tilespmem:s17+$0x18730]  }
0x31: {  	v0 =	vld.idx.msk [tilespmem:v0+s3+$0x0], $0xffff;
	_ =	sdelay $0x5  }
0x32: {  	[tilespmem:s17+$0x19720] =	vst v0;
	v0 =	vld [tilespmem:s17+$0x18740]  }
0x33: {  	v1 =	vld.idx.msk [tilespmem:v1+s3+$0x0], $0xffff;
	_ =	sdelay $0x5  }
0x34: {  	[tilespmem:s17+$0x19730] =	vst v1;
	v1 =	vld [tilespmem:s17+$0x18750]  }
0x35: {  	v0 =	vld.idx.msk [tilespmem:v0+s3+$0x0], $0xffff;
	_ =	sdelay $0x5  }
0x36: {  	[tilespmem:s17+$0x19740] =	vst v0;
	v2 =	vld [tilespmem:s17+$0x18760]  }
0x37: {  	v0 =	vld.idx.msk [tilespmem:v1+s3+$0x0], $0xffff;
	_ =	sdelay $0x5  }
0x38: {  	[tilespmem:s17+$0x19750] =	vst v0;
	v0 =	vld [tilespmem:s17+$0x18770]  }
0x39: {  	v1 =	vld.idx.msk [tilespmem:v2+s3+$0x0], $0xffff  }
.Ltmp0:
0x3a: {  	(pc) =	sbr.rel @p0 .LBB2_3-.Ltmp0, $2  }
0x3b: {  	_ =	sdelay $0x2  }
0x3c: {  	s19 =	sshra.s32 s18, $0x2;
	s18 =	sadd.s32 $0x200, s18  }
0x3d: {  	_ =	sdelay $0x1  }
0x3e: {  	v2 =	vld [tilespmem:s19+$0x18700]  }
0x3f: {  	[tilespmem:s17+$0x19760] =	vst v1  }
0x40: {  	v0 =	vld.idx.msk [tilespmem:v0+s3+$0x0], $0xffff;
	_ =	sdelay $0x3  }
0x41: {  	v1 =	vld [tilespmem:s19+$0x18710]  }
0x42: {  	[tilespmem:s17+$0x19770] =	vst v0  }
0x43: {  	v0 =	vld.idx.msk [tilespmem:v2+s3+$0x0], $0xffff;
	_ =	sdelay $0x3  }
0x44: {  	v58 =	vld [tilespmem:s19+$0x18720]  }
0x45: {  	[tilespmem:s19+$0x19700] =	vst v0  }
0x46: {  	v1 =	vld.idx.msk [tilespmem:v1+s3+$0x0], $0xffff;
	_ =	sdelay $0x3  }
0x47: {  	v59 =	vld [tilespmem:s19+$0x18730]  }
0x48: {  	[tilespmem:s19+$0x19710] =	vst v1  }
0x49: {  	v0 =	vld.idx.msk [tilespmem:v58+s3+$0x0], $0xffff;
	_ =	sdelay $0x3  }
0x4a: {  	v60 =	vld [tilespmem:s19+$0x18740]  }
0x4b: {  	[tilespmem:s19+$0x19720] =	vst v0  }
0x4c: {  	v1 =	vld.idx.msk [tilespmem:v59+s3+$0x0], $0xffff;
	_ =	sdelay $0x3  }
0x4d: {  	v61 =	vld [tilespmem:s19+$0x18750]  }
0x4e: {  	[tilespmem:s19+$0x19730] =	vst v1  }
0x4f: {  	v0 =	vld.idx.msk [tilespmem:v60+s3+$0x0], $0xffff;
	_ =	sdelay $0x3  }
0x50: {  	v62 =	vld [tilespmem:s19+$0x18760]  }
0x51: {  	[tilespmem:s19+$0x19740] =	vst v0  }
0x52: {  	v1 =	vld.idx.msk [tilespmem:v61+s3+$0x0], $0xffff;
	_ =	sdelay $0x3  }
0x53: {  	v63 =	vld [tilespmem:s19+$0x18770]  }
0x54: {  	[tilespmem:s19+$0x19750] =	vst v1  }
0x55: {  	v0 =	vld.idx.msk [tilespmem:v62+s3+$0x0], $0xffff;
	_ =	sdelay $0x4  }
0x56: {  	[tilespmem:s19+$0x19760] =	vst v0  }
0x57: {  	v0 =	vld.idx.msk [tilespmem:v63+s3+$0x0], $0xffff  }
0x58: {  	s31 =	sshll.u32 s16, $0x11  }
0x59: {  	s17 =	sor.u32 s31, s8  }
0x5a: {  	s16 =	sadd.s32 $0x1, s16;
	s17 =	sor.u32 s6, s17  }
0x5b: {  	p0 =	sne.s32 s16, $0x1A;
	s17 =	sshrl.u32 s17, $0x3  }
.Ltmp1:
0x5c: {  	s17 =	sadd.s32 s5, s17;
	[tilespmem:s19+$0x19770] =	vst v0;
	(pc) =	sbr.rel @p0 .LBB2_2-.Ltmp1, $4  }
0x5d: {  	[hbm4b:s17+s10] =	stream.strided.scatter [tilespmem:s14], [sflag:$0x1], $0x1000, s11, s10, $0x38;
	[tilespmem:$0x1A700] =	vst v63  }
0x5e: {  	_ =	swait.ge [sflag:s13], $0x1000  }
0x5f: {  	[sflag:s13] =	ssyncset.done $0x0  }
0x60: {  	[sflag:s13] =	ssyncadd.s32 $0xFFFFF000  }
0x61: {  	s15 =	sadd.s32 $0x1, s15  }
0x62: {  	p0 =	sne.s32 s15, s9  }
.Ltmp2:
0x63: {  	_ = 	snop;
	(pc) =	sbr.rel @p0 .LBB2_1-.Ltmp2, $1  }
0x64: {  	_ =	sdelay $0x3  }
0x65: {  	_ =	sfence.sel $0x180000  }
0x66: {  	[bflag:$0x0] =	sbarrier.arrive $0xFFFF  }
0x67: {  	p0 =	sne.s32 s4, $0x0;
	_ =	strace $0x90000047  }
0x68: {  	s0 =	sadd.s32 @!p0 $0x100000, s0;
	[bflag:$0x2] =	sbarrier.arrive $0xFFFF  }
0x69: {  	[sflag:s0] =	ssyncadd.tile.s32 @!p0 $0x1;
	_ =	shalt  }
.Lfunc_end2:
_tile_overlayer_lowered:
.L_overlay_start_2:
0x6a: {  	(tag) =	ssettag $0x2  }
0x6b: {  	s0 =	rddreg [dreg:$0x0];
	s2 =	stileid.u32  }
0x6c: {  	s1 =	rddreg [dreg:$0x1];
	p0 =	sne.s32 s2, $0x0  }
0x6d: {  	s3 =	rddreg [dreg:$0x2];
	[bflag:$0x3] =	sbarrier.arrive $0xFFFF;
	s2 =	simm.s32 @!p0 $0x1C01  }
0x6e: {  	[timem:s3], [sflag:s2] =	dma.local @!p0 [hbm:s0], s1  }
0x6f: {  	s0 =	simm.s32 @!p0 $0x1  }
0x70: {  	_ =	swait.ge @!p0 [sflag:s0], s1  }
0x71: {  	s1 =	ssub.s32 @!p0 $0x0, s1;
	[sflag:s0] =	ssyncset.done @!p0 $0x0  }
0x72: {  	[sflag:s0] =	ssyncadd.s32 @!p0 s1  }
0x73: {  	[bflag:$0x3] =	sbarrier.arrive $0xFFFF  }
0x74: {  	_ =	shalt  }

</sc_bundles>
